<compile_context>
chip_gen: v7x
topology: tpu7x:2x2x1
jax: 0.10.2.dev20260603
libtpu: 0.0.44.dev20260713+nightly
codegen_flags: <defaults>
</compile_context>

<pallas_src>
import functools
import jax
import jax.numpy as jnp
from jax import lax
from jax.experimental import pallas as pl
from jax.experimental.pallas import tpu as pltpu
from jax.experimental.pallas import tpu_sc as plsc

DIM = 64
SEQ = 200
BATCH = 1024
NW = 32
B_PW = BATCH // NW
CHUNK = SEQ // 2
SCALE = 8.0

_mesh = plsc.VectorSubcoreMesh(core_axis_name="c", subcore_axis_name="s")


@functools.partial(
    pl.kernel,
    mesh=_mesh,
    compiler_params=pltpu.CompilerParams(use_tc_tiling_on_sc=False),
    out_type=jax.ShapeDtypeStruct((BATCH, SEQ, DIM), jnp.float32),
    scratch_types=[
        pltpu.VMEM((2 * B_PW, CHUNK), jnp.int32),
        pltpu.VMEM((SEQ, DIM), jnp.float32),
        pltpu.VMEM((CHUNK, DIM), jnp.float32),
        pltpu.VMEM((CHUNK, DIM), jnp.float32),
        pltpu.SemaphoreType.DMA,
        pltpu.SemaphoreType.DMA,
    ],
)
def _emb_kernel(idx_hbm, pe_hbm, tab_hbm, out_hbm, idx_v, pe_v, buf0, buf1,
                s0, s1):
    wid = lax.axis_index("s") * 2 + lax.axis_index("c")
    b0 = wid * B_PW
    cbase = wid * 2 * B_PW

    pltpu.sync_copy(idx_hbm.at[pl.ds(cbase, 2 * B_PW)], idx_v)
    pltpu.sync_copy(pe_hbm, pe_v)

    pltpu.async_copy(tab_hbm.at[idx_v.at[0]], buf0, s0)
    pltpu.async_copy(tab_hbm.at[idx_v.at[1]], buf1, s1)

    def seq_step(bb, carry):
        for k, (buf, sem) in enumerate(((buf0, s0), (buf1, s1))):
            pltpu.make_async_copy(tab_hbm.at[idx_v.at[0]], buf, sem).wait()

            def body(r, _):
                pr = k * CHUNK + r
                for j in range(DIM // 16):
                    sl = pl.ds(j * 16, 16)
                    buf[r, sl] = buf[r, sl] * SCALE + pe_v[pr, sl]
                return 0

            lax.fori_loop(0, CHUNK, body, 0)
            pltpu.sync_copy(
                buf, out_hbm.at[b0 + bb, pl.ds(k * CHUNK, CHUNK)])

            @pl.when(bb < B_PW - 1)
            def _():
                pltpu.async_copy(
                    tab_hbm.at[idx_v.at[2 * bb + 2 + k]], buf, sem)

        return carry

    lax.fori_loop(0, B_PW, seq_step, 0)


def kernel(x, embed_weight, pe):
    idx = x.reshape(BATCH * SEQ // CHUNK, CHUNK).astype(jnp.int32)
    pe2 = pe[0, :SEQ].astype(jnp.float32)
    return _emb_kernel(idx, pe2, embed_weight)

# --- scband reference (transcript-rebuilt; emitter-appended) ---
"""Pipeline reference for scband-embeddings-with-positional-encoding-64398739636849 (READ-ONLY COPY).

The authoritative reference and input builder live on the scoring server;
editing this copy changes nothing except your own understanding.
"""

import jax, jax.numpy as jnp
import numpy as np
import math

VOCAB = 1000000
DIM = 64
MAX_LEN = 50000
BATCH = 1024
SEQ = 200


def create_fixed_positional_encoding(dim, max_len):
    position = np.arange(0, max_len, dtype=np.float32)[:, None]
    div_term = np.exp(np.arange(0, dim, 2, dtype=np.float32) * -(math.log(10000.0) / dim))
    pe = np.zeros((max_len, dim), dtype=np.float32)
    pe[:, 0::2] = np.sin(position * div_term)
    pe[:, 1::2] = np.cos(position * div_term)
    return jnp.asarray(pe)[None, :, :]  # (1, max_len, dim)


def setup_inputs(seed: int = 0) -> dict:
    key = jax.random.key(seed)
    k1, k2 = jax.random.split(key)
    x = jax.random.randint(k1, (BATCH, SEQ), 0, VOCAB)
    embed_weight = jax.random.normal(k2, (VOCAB, DIM), dtype=jnp.float32)
    pe = create_fixed_positional_encoding(DIM, MAX_LEN)
    return {"x": x, "embed_weight": embed_weight, "pe": pe}


def reference(x, embed_weight, pe):
    # token embedding lookup (gather) scaled by sqrt(dim)
    token_embedding = jnp.take(embed_weight, x, axis=0) * math.sqrt(DIM)
    # add fixed positional encoding for the first seq_len positions
    positional_encoding = pe[:, : x.shape[1]]
    out = token_embedding + positional_encoding
    # dropout p=0.0 (eval / identity)
    return out

if __name__ == "__main__":
    import jax
    _d = setup_inputs()
    print(jax.jit(kernel)(*tuple(_d.values())))

</pallas_src>

<mosaic_0001>
#map = affine_map<(d0, d1) -> (0, 0)>
#map1 = affine_map<(d0, d1) -> (0, 0, 0)>
module attributes {stable_mosaic.version = 14 : i64} {
  func.func @_emb_kernel(%arg0: i32, %arg1: i32, %arg2: memref<2048x100xi32, #tpu.memory_space<hbm>>, %arg3: memref<200x64xf32, #tpu.memory_space<hbm>>, %arg4: memref<1000000x64xf32, #tpu.memory_space<hbm>>, %arg5: memref<1024x200x64xf32, #tpu.memory_space<hbm>>, %arg6: memref<64x100xi32, #tpu.memory_space<vmem>>, %arg7: memref<200x64xf32, #tpu.memory_space<vmem>>, %arg8: memref<100x64xf32, #tpu.memory_space<vmem>>, %arg9: memref<100x64xf32, #tpu.memory_space<vmem>>, %arg10: memref<!tpu.dma_semaphore, #tpu.memory_space<semaphore_mem>>, %arg11: memref<!tpu.dma_semaphore, #tpu.memory_space<semaphore_mem>>) attributes {dimension_semantics = [#tpu.dimension_semantics<core_parallel>, #tpu.dimension_semantics<subcore_parallel>], iteration_bounds = array<i64: 2, 16>, scalar_prefetch = 0 : i64, scratch_operands = 6 : i64, tpu.core_type = #tpu.core_type<sc_vector_subcore>, window_params = [{transform_indices = #map}, {transform_indices = #map}, {transform_indices = #map}, {transform_indices = #map1}]} {
    %mul3A = arith.constant 2 : i32
    %mul3A_0 = arith.muli %arg1, %mul3A : i32
    %add3A = arith.addi %mul3A_0, %arg0 : i32
    %mul3A_1 = arith.constant 32 : i32
    %mul3A_2 = arith.muli %add3A, %mul3A_1 : i32
    %mul3A_3 = arith.constant 2 : i32
    %mul3A_4 = arith.muli %add3A, %mul3A_3 : i32
    %mul3A_5 = arith.constant 32 : i32
    %mul3A_6 = arith.muli %mul3A_4, %mul3A_5 : i32
    "tpu.region"() ({
      %run_scoped3A = tpu.sem_alloc : memref<!tpu.dma_semaphore, #tpu.memory_space<semaphore_mem>>
      %dma_start3A_25 = arith.constant 0 : i32
      %dma_start3A_26 = tpu.memref_slice %arg2[%mul3A_6, %dma_start3A_25] : memref<2048x100xi32, #tpu.memory_space<hbm>> -> memref<64x100xi32, #tpu.memory_space<hbm>>
      %dma_start3A_27 = arith.constant 0 : i32
      %dma_start3A_28 = tpu.memref_slice %arg2[%mul3A_6, %dma_start3A_27] : memref<2048x100xi32, #tpu.memory_space<hbm>> -> memref<64x100xi32, #tpu.memory_space<hbm>>
      tpu.enqueue_dma source(%dma_start3A_28 : memref<64x100xi32, #tpu.memory_space<hbm>>) target(%arg6 : memref<64x100xi32, #tpu.memory_space<vmem>>) target_semaphore(%run_scoped3A : memref<!tpu.dma_semaphore, #tpu.memory_space<semaphore_mem>>)
      %dma_wait3A = arith.constant 0 : i32
      %dma_wait3A_29 = tpu.memref_slice %arg2[%mul3A_6, %dma_wait3A] : memref<2048x100xi32, #tpu.memory_space<hbm>> -> memref<64x100xi32, #tpu.memory_space<hbm>>
      %dma_wait3A_30 = arith.constant 0 : i32
      %dma_wait3A_31 = tpu.memref_slice %arg2[%mul3A_6, %dma_wait3A_30] : memref<2048x100xi32, #tpu.memory_space<hbm>> -> memref<64x100xi32, #tpu.memory_space<hbm>>
      tpu.wait_dma2 semaphore(%run_scoped3A : memref<!tpu.dma_semaphore, #tpu.memory_space<semaphore_mem>>) src(%dma_wait3A_31 : memref<64x100xi32, #tpu.memory_space<hbm>>) dst(%arg6 : memref<64x100xi32, #tpu.memory_space<vmem>>)
      tpu.yield
    }) : () -> ()
    "tpu.region"() ({
      %run_scoped3A = tpu.sem_alloc : memref<!tpu.dma_semaphore, #tpu.memory_space<semaphore_mem>>
      tpu.enqueue_dma source(%arg3 : memref<200x64xf32, #tpu.memory_space<hbm>>) target(%arg7 : memref<200x64xf32, #tpu.memory_space<vmem>>) target_semaphore(%run_scoped3A : memref<!tpu.dma_semaphore, #tpu.memory_space<semaphore_mem>>)
      tpu.wait_dma2 semaphore(%run_scoped3A : memref<!tpu.dma_semaphore, #tpu.memory_space<semaphore_mem>>) src(%arg3 : memref<200x64xf32, #tpu.memory_space<hbm>>) dst(%arg7 : memref<200x64xf32, #tpu.memory_space<vmem>>)
      tpu.yield
    }) : () -> ()
    %dma_start3A = arith.constant 0 : i32
    %dma_start3A_7 = arith.constant 0 : i32
    %dma_start3A_8 = tpu.memref_slice %arg6[%dma_start3A, %dma_start3A_7] : memref<64x100xi32, #tpu.memory_space<vmem>> -> memref<1x100xi32, #tpu.memory_space<vmem>>
    %dma_start3A_9 = tpu.memref_squeeze %dma_start3A_8 : memref<1x100xi32, #tpu.memory_space<vmem>> -> memref<100xi32, #tpu.memory_space<vmem>>
    %dma_start3A_10 = arith.constant 0 : i32
    %dma_start3A_11 = arith.constant 0 : i32
    %dma_start3A_12 = tpu.memref_slice %arg4[%dma_start3A_10, %dma_start3A_11] : memref<1000000x64xf32, #tpu.memory_space<hbm>> -> memref<1000000x64xf32, #tpu.memory_space<hbm>>
    tpu.enqueue_indirect_dma source(%dma_start3A_12 : memref<1000000x64xf32, #tpu.memory_space<hbm>>) target(%arg8 : memref<100x64xf32, #tpu.memory_space<vmem>>) offsets(%dma_start3A_9 : memref<100xi32, #tpu.memory_space<vmem>>) semaphore(%arg10 : memref<!tpu.dma_semaphore, #tpu.memory_space<semaphore_mem>>)
    %dma_start3A_13 = arith.constant 1 : i32
    %dma_start3A_14 = arith.constant 0 : i32
    %dma_start3A_15 = tpu.memref_slice %arg6[%dma_start3A_13, %dma_start3A_14] : memref<64x100xi32, #tpu.memory_space<vmem>> -> memref<1x100xi32, #tpu.memory_space<vmem>>
    %dma_start3A_16 = tpu.memref_squeeze %dma_start3A_15 : memref<1x100xi32, #tpu.memory_space<vmem>> -> memref<100xi32, #tpu.memory_space<vmem>>
    %dma_start3A_17 = arith.constant 0 : i32
    %dma_start3A_18 = arith.constant 0 : i32
    %dma_start3A_19 = tpu.memref_slice %arg4[%dma_start3A_17, %dma_start3A_18] : memref<1000000x64xf32, #tpu.memory_space<hbm>> -> memref<1000000x64xf32, #tpu.memory_space<hbm>>
    tpu.enqueue_indirect_dma source(%dma_start3A_19 : memref<1000000x64xf32, #tpu.memory_space<hbm>>) target(%arg9 : memref<100x64xf32, #tpu.memory_space<vmem>>) offsets(%dma_start3A_16 : memref<100xi32, #tpu.memory_space<vmem>>) semaphore(%arg11 : memref<!tpu.dma_semaphore, #tpu.memory_space<semaphore_mem>>)
    %scan3A = arith.constant 0 : i32
    %scan3A_20 = arith.constant 0 : i32
    %scan3A_21 = arith.constant 32 : i32
    %scan3A_22 = arith.addi %scan3A_20, %scan3A_21 : i32
    %scan3A_23 = arith.constant 1 : i32
    scf.for %scan3A_25 = %scan3A_20 to %scan3A_22 step %scan3A_23  : i32 {
      %dma_wait3A = arith.constant 0 : i32
      %dma_wait3A_26 = arith.constant 0 : i32
      %dma_wait3A_27 = tpu.memref_slice %arg6[%dma_wait3A, %dma_wait3A_26] : memref<64x100xi32, #tpu.memory_space<vmem>> -> memref<1x100xi32, #tpu.memory_space<vmem>>
      %dma_wait3A_28 = tpu.memref_squeeze %dma_wait3A_27 : memref<1x100xi32, #tpu.memory_space<vmem>> -> memref<100xi32, #tpu.memory_space<vmem>>
      %dma_wait3A_29 = arith.constant 0 : i32
      %dma_wait3A_30 = arith.constant 0 : i32
      %dma_wait3A_31 = tpu.memref_slice %arg4[%dma_wait3A_29, %dma_wait3A_30] : memref<1000000x64xf32, #tpu.memory_space<hbm>> -> memref<1000000x64xf32, #tpu.memory_space<hbm>>
      tpu.wait_indirect_dma semaphore(%arg10 : memref<!tpu.dma_semaphore, #tpu.memory_space<semaphore_mem>>) src(%dma_wait3A_31 : memref<1000000x64xf32, #tpu.memory_space<hbm>>) dst(%arg8 : memref<100x64xf32, #tpu.memory_space<vmem>>)
      %scan3A_32 = arith.constant 0 : i32
      %scan3A_33 = arith.constant 0 : i32
      %scan3A_34 = arith.constant 100 : i32
      %scan3A_35 = arith.addi %scan3A_33, %scan3A_34 : i32
      %scan3A_36 = arith.constant 1 : i32
      %scan3A_37 = scf.for %scan3A_62 = %scan3A_33 to %scan3A_35 step %scan3A_36 iter_args(%scan3A_63 = %scan3A_32) -> (i32)  : i32 {
        %add3A_64 = arith.constant 0 : i32
        %add3A_65 = arith.addi %add3A_64, %scan3A_62 : i32
        %get3A = arith.index_cast %scan3A_62 : i32 to index
        %get3A_66 = arith.constant 0 : index
        %get3A_67 = tpu.vector_load %arg8[%get3A, %get3A_66] {strides = array<i32>} : memref<100x64xf32, #tpu.memory_space<vmem>>, vector<1x16xf32>,
        %get3A_68 = vector.shape_cast %get3A_67 : vector<1x16xf32> to vector<16xf32>
        %mul3A_69 = arith.constant 8.000000e+00 : f32
        %mul3A_70 = vector.broadcast %mul3A_69 : f32 to vector<16xf32>
        %mul3A_71 = arith.mulf %get3A_68, %mul3A_70 : vector<16xf32>
        %get3A_72 = arith.index_cast %add3A_65 : i32 to index
        %get3A_73 = arith.constant 0 : index
        %get3A_74 = tpu.vector_load %arg7[%get3A_72, %get3A_73] {strides = array<i32>} : memref<200x64xf32, #tpu.memory_space<vmem>>, vector<1x16xf32>,
        %get3A_75 = vector.shape_cast %get3A_74 : vector<1x16xf32> to vector<16xf32>
        %add3A_76 = arith.addf %mul3A_71, %get3A_75 : vector<16xf32>
        %swap3A = arith.index_cast %scan3A_62 : i32 to index
        %swap3A_77 = arith.constant 0 : index
        %swap3A_78 = tpu.vector_load %arg8[%swap3A, %swap3A_77] {strides = array<i32>} : memref<100x64xf32, #tpu.memory_space<vmem>>, vector<1x16xf32>,
        %swap3A_79 = vector.shape_cast %swap3A_78 : vector<1x16xf32> to vector<16xf32>
        %swap3A_80 = vector.shape_cast %add3A_76 : vector<16xf32> to vector<1x16xf32>
        tpu.vector_store %arg8[%swap3A, %swap3A_77], %swap3A_80 {strides = array<i32>} : memref<100x64xf32, #tpu.memory_space<vmem>>, vector<1x16xf32>,
        %get3A_81 = arith.index_cast %scan3A_62 : i32 to index
        %get3A_82 = arith.constant 16 : index
        %get3A_83 = tpu.vector_load %arg8[%get3A_81, %get3A_82] {strides = array<i32>} : memref<100x64xf32, #tpu.memory_space<vmem>>, vector<1x16xf32>,
        %get3A_84 = vector.shape_cast %get3A_83 : vector<1x16xf32> to vector<16xf32>
        %mul3A_85 = arith.constant 8.000000e+00 : f32
        %mul3A_86 = vector.broadcast %mul3A_85 : f32 to vector<16xf32>
        %mul3A_87 = arith.mulf %get3A_84, %mul3A_86 : vector<16xf32>
        %get3A_88 = arith.index_cast %add3A_65 : i32 to index
        %get3A_89 = arith.constant 16 : index
        %get3A_90 = tpu.vector_load %arg7[%get3A_88, %get3A_89] {strides = array<i32>} : memref<200x64xf32, #tpu.memory_space<vmem>>, vector<1x16xf32>,
        %get3A_91 = vector.shape_cast %get3A_90 : vector<1x16xf32> to vector<16xf32>
        %add3A_92 = arith.addf %mul3A_87, %get3A_91 : vector<16xf32>
        %swap3A_93 = arith.index_cast %scan3A_62 : i32 to index
        %swap3A_94 = arith.constant 16 : index
        %swap3A_95 = tpu.vector_load %arg8[%swap3A_93, %swap3A_94] {strides = array<i32>} : memref<100x64xf32, #tpu.memory_space<vmem>>, vector<1x16xf32>,
        %swap3A_96 = vector.shape_cast %swap3A_95 : vector<1x16xf32> to vector<16xf32>
        %swap3A_97 = vector.shape_cast %add3A_92 : vector<16xf32> to vector<1x16xf32>
        tpu.vector_store %arg8[%swap3A_93, %swap3A_94], %swap3A_97 {strides = array<i32>} : memref<100x64xf32, #tpu.memory_space<vmem>>, vector<1x16xf32>,
        %get3A_98 = arith.index_cast %scan3A_62 : i32 to index
        %get3A_99 = arith.constant 32 : index
        %get3A_100 = tpu.vector_load %arg8[%get3A_98, %get3A_99] {strides = array<i32>} : memref<100x64xf32, #tpu.memory_space<vmem>>, vector<1x16xf32>,
        %get3A_101 = vector.shape_cast %get3A_100 : vector<1x16xf32> to vector<16xf32>
        %mul3A_102 = arith.constant 8.000000e+00 : f32
        %mul3A_103 = vector.broadcast %mul3A_102 : f32 to vector<16xf32>
        %mul3A_104 = arith.mulf %get3A_101, %mul3A_103 : vector<16xf32>
        %get3A_105 = arith.index_cast %add3A_65 : i32 to index
        %get3A_106 = arith.constant 32 : index
        %get3A_107 = tpu.vector_load %arg7[%get3A_105, %get3A_106] {strides = array<i32>} : memref<200x64xf32, #tpu.memory_space<vmem>>, vector<1x16xf32>,
        %get3A_108 = vector.shape_cast %get3A_107 : vector<1x16xf32> to vector<16xf32>
        %add3A_109 = arith.addf %mul3A_104, %get3A_108 : vector<16xf32>
        %swap3A_110 = arith.index_cast %scan3A_62 : i32 to index
        %swap3A_111 = arith.constant 32 : index
        %swap3A_112 = tpu.vector_load %arg8[%swap3A_110, %swap3A_111] {strides = array<i32>} : memref<100x64xf32, #tpu.memory_space<vmem>>, vector<1x16xf32>,
        %swap3A_113 = vector.shape_cast %swap3A_112 : vector<1x16xf32> to vector<16xf32>
        %swap3A_114 = vector.shape_cast %add3A_109 : vector<16xf32> to vector<1x16xf32>
        tpu.vector_store %arg8[%swap3A_110, %swap3A_111], %swap3A_114 {strides = array<i32>} : memref<100x64xf32, #tpu.memory_space<vmem>>, vector<1x16xf32>,
        %get3A_115 = arith.index_cast %scan3A_62 : i32 to index
        %get3A_116 = arith.constant 48 : index
        %get3A_117 = tpu.vector_load %arg8[%get3A_115, %get3A_116] {strides = array<i32>} : memref<100x64xf32, #tpu.memory_space<vmem>>, vector<1x16xf32>,
        %get3A_118 = vector.shape_cast %get3A_117 : vector<1x16xf32> to vector<16xf32>
        %mul3A_119 = arith.constant 8.000000e+00 : f32
        %mul3A_120 = vector.broadcast %mul3A_119 : f32 to vector<16xf32>
        %mul3A_121 = arith.mulf %get3A_118, %mul3A_120 : vector<16xf32>
        %get3A_122 = arith.index_cast %add3A_65 : i32 to index
        %get3A_123 = arith.constant 48 : index
        %get3A_124 = tpu.vector_load %arg7[%get3A_122, %get3A_123] {strides = array<i32>} : memref<200x64xf32, #tpu.memory_space<vmem>>, vector<1x16xf32>,
        %get3A_125 = vector.shape_cast %get3A_124 : vector<1x16xf32> to vector<16xf32>
        %add3A_126 = arith.addf %mul3A_121, %get3A_125 : vector<16xf32>
        %swap3A_127 = arith.index_cast %scan3A_62 : i32 to index
        %swap3A_128 = arith.constant 48 : index
        %swap3A_129 = tpu.vector_load %arg8[%swap3A_127, %swap3A_128] {strides = array<i32>} : memref<100x64xf32, #tpu.memory_space<vmem>>, vector<1x16xf32>,
        %swap3A_130 = vector.shape_cast %swap3A_129 : vector<1x16xf32> to vector<16xf32>
        %swap3A_131 = vector.shape_cast %add3A_126 : vector<16xf32> to vector<1x16xf32>
        tpu.vector_store %arg8[%swap3A_127, %swap3A_128], %swap3A_131 {strides = array<i32>} : memref<100x64xf32, #tpu.memory_space<vmem>>, vector<1x16xf32>,
        %scan3A_132 = arith.constant 0 : i32
        scf.yield %scan3A_132 : i32
      }
      %scan3A_38 = arith.constant 100 : i32
      %add3A_39 = arith.addi %mul3A_2, %scan3A_25 : i32
      "tpu.region"() ({
        %run_scoped3A = tpu.sem_alloc : memref<!tpu.dma_semaphore, #tpu.memory_space<semaphore_mem>>
        %dma_start3A_62 = arith.constant 0 : i32
        %dma_start3A_63 = arith.constant 0 : i32
        %dma_start3A_64 = tpu.memref_slice %arg5[%add3A_39, %dma_start3A_62, %dma_start3A_63] : memref<1024x200x64xf32, #tpu.memory_space<hbm>> -> memref<1x100x64xf32, #tpu.memory_space<hbm>>
        %dma_start3A_65 = tpu.memref_squeeze %dma_start3A_64 : memref<1x100x64xf32, #tpu.memory_space<hbm>> -> memref<100x64xf32, #tpu.memory_space<hbm>>
        %dma_start3A_66 = arith.constant 0 : i32
        %dma_start3A_67 = arith.constant 0 : i32
        %dma_start3A_68 = tpu.memref_slice %arg5[%add3A_39, %dma_start3A_66, %dma_start3A_67] : memref<1024x200x64xf32, #tpu.memory_space<hbm>> -> memref<1x100x64xf32, #tpu.memory_space<hbm>>
        %dma_start3A_69 = tpu.memref_squeeze %dma_start3A_68 : memref<1x100x64xf32, #tpu.memory_space<hbm>> -> memref<100x64xf32, #tpu.memory_space<hbm>>
        tpu.enqueue_dma source(%arg8 : memref<100x64xf32, #tpu.memory_space<vmem>>) target(%dma_start3A_69 : memref<100x64xf32, #tpu.memory_space<hbm>>) target_semaphore(%run_scoped3A : memref<!tpu.dma_semaphore, #tpu.memory_space<semaphore_mem>>)
        %dma_wait3A_70 = arith.constant 0 : i32
        %dma_wait3A_71 = arith.constant 0 : i32
        %dma_wait3A_72 = tpu.memref_slice %arg5[%add3A_39, %dma_wait3A_70, %dma_wait3A_71] : memref<1024x200x64xf32, #tpu.memory_space<hbm>> -> memref<1x100x64xf32, #tpu.memory_space<hbm>>
        %dma_wait3A_73 = tpu.memref_squeeze %dma_wait3A_72 : memref<1x100x64xf32, #tpu.memory_space<hbm>> -> memref<100x64xf32, #tpu.memory_space<hbm>>
        %dma_wait3A_74 = arith.constant 0 : i32
        %dma_wait3A_75 = arith.constant 0 : i32
        %dma_wait3A_76 = tpu.memref_slice %arg5[%add3A_39, %dma_wait3A_74, %dma_wait3A_75] : memref<1024x200x64xf32, #tpu.memory_space<hbm>> -> memref<1x100x64xf32, #tpu.memory_space<hbm>>
        %dma_wait3A_77 = tpu.memref_squeeze %dma_wait3A_76 : memref<1x100x64xf32, #tpu.memory_space<hbm>> -> memref<100x64xf32, #tpu.memory_space<hbm>>
        tpu.wait_dma2 semaphore(%run_scoped3A : memref<!tpu.dma_semaphore, #tpu.memory_space<semaphore_mem>>) src(%arg8 : memref<100x64xf32, #tpu.memory_space<vmem>>) dst(%dma_wait3A_77 : memref<100x64xf32, #tpu.memory_space<hbm>>)
        tpu.yield
      }) : () -> ()
      %lt3A = arith.constant 31 : i32
      %lt3A_40 = arith.cmpi slt, %scan3A_25, %lt3A : i32
      %convert_element_type3A = arith.extui %lt3A_40 : i1 to i32
      %cond3A = arith.constant 0 : i32
      %cond3A_41 = arith.cmpi ne, %convert_element_type3A, %cond3A : i32
      scf.if %cond3A_41 {
        %mul3A_62 = arith.constant 2 : i32
        %mul3A_63 = arith.muli %mul3A_62, %scan3A_25 : i32
        %add3A_64 = arith.constant 2 : i32
        %add3A_65 = arith.addi %mul3A_63, %add3A_64 : i32
        %add3A_66 = arith.constant 0 : i32
        %add3A_67 = arith.addi %add3A_65, %add3A_66 : i32
        %dma_start3A_68 = arith.constant 0 : i32
        %dma_start3A_69 = tpu.memref_slice %arg6[%add3A_67, %dma_start3A_68] : memref<64x100xi32, #tpu.memory_space<vmem>> -> memref<1x100xi32, #tpu.memory_space<vmem>>
        %dma_start3A_70 = tpu.memref_squeeze %dma_start3A_69 : memref<1x100xi32, #tpu.memory_space<vmem>> -> memref<100xi32, #tpu.memory_space<vmem>>
        %dma_start3A_71 = arith.constant 0 : i32
        %dma_start3A_72 = arith.constant 0 : i32
        %dma_start3A_73 = tpu.memref_slice %arg4[%dma_start3A_71, %dma_start3A_72] : memref<1000000x64xf32, #tpu.memory_space<hbm>> -> memref<1000000x64xf32, #tpu.memory_space<hbm>>
        tpu.enqueue_indirect_dma source(%dma_start3A_73 : memref<1000000x64xf32, #tpu.memory_space<hbm>>) target(%arg8 : memref<100x64xf32, #tpu.memory_space<vmem>>) offsets(%dma_start3A_70 : memref<100xi32, #tpu.memory_space<vmem>>) semaphore(%arg10 : memref<!tpu.dma_semaphore, #tpu.memory_space<semaphore_mem>>)
      } else {
      }
      %dma_wait3A_42 = arith.constant 0 : i32
      %dma_wait3A_43 = arith.constant 0 : i32
      %dma_wait3A_44 = tpu.memref_slice %arg6[%dma_wait3A_42, %dma_wait3A_43] : memref<64x100xi32, #tpu.memory_space<vmem>> -> memref<1x100xi32, #tpu.memory_space<vmem>>
      %dma_wait3A_45 = tpu.memref_squeeze %dma_wait3A_44 : memref<1x100xi32, #tpu.memory_space<vmem>> -> memref<100xi32, #tpu.memory_space<vmem>>
      %dma_wait3A_46 = arith.constant 0 : i32
      %dma_wait3A_47 = arith.constant 0 : i32
      %dma_wait3A_48 = tpu.memref_slice %arg4[%dma_wait3A_46, %dma_wait3A_47] : memref<1000000x64xf32, #tpu.memory_space<hbm>> -> memref<1000000x64xf32, #tpu.memory_space<hbm>>
      tpu.wait_indirect_dma semaphore(%arg11 : memref<!tpu.dma_semaphore, #tpu.memory_space<semaphore_mem>>) src(%dma_wait3A_48 : memref<1000000x64xf32, #tpu.memory_space<hbm>>) dst(%arg9 : memref<100x64xf32, #tpu.memory_space<vmem>>)
      %scan3A_49 = arith.constant 0 : i32
      %scan3A_50 = arith.constant 0 : i32
      %scan3A_51 = arith.constant 100 : i32
      %scan3A_52 = arith.addi %scan3A_50, %scan3A_51 : i32
      %scan3A_53 = arith.constant 1 : i32
      %scan3A_54 = scf.for %scan3A_62 = %scan3A_50 to %scan3A_52 step %scan3A_53 iter_args(%scan3A_63 = %scan3A_49) -> (i32)  : i32 {
        %add3A_64 = arith.constant 100 : i32
        %add3A_65 = arith.addi %add3A_64, %scan3A_62 : i32
        %get3A = arith.index_cast %scan3A_62 : i32 to index
        %get3A_66 = arith.constant 0 : index
        %get3A_67 = tpu.vector_load %arg9[%get3A, %get3A_66] {strides = array<i32>} : memref<100x64xf32, #tpu.memory_space<vmem>>, vector<1x16xf32>,
        %get3A_68 = vector.shape_cast %get3A_67 : vector<1x16xf32> to vector<16xf32>
        %mul3A_69 = arith.constant 8.000000e+00 : f32
        %mul3A_70 = vector.broadcast %mul3A_69 : f32 to vector<16xf32>
        %mul3A_71 = arith.mulf %get3A_68, %mul3A_70 : vector<16xf32>
        %get3A_72 = arith.index_cast %add3A_65 : i32 to index
        %get3A_73 = arith.constant 0 : index
        %get3A_74 = tpu.vector_load %arg7[%get3A_72, %get3A_73] {strides = array<i32>} : memref<200x64xf32, #tpu.memory_space<vmem>>, vector<1x16xf32>,
        %get3A_75 = vector.shape_cast %get3A_74 : vector<1x16xf32> to vector<16xf32>
        %add3A_76 = arith.addf %mul3A_71, %get3A_75 : vector<16xf32>
        %swap3A = arith.index_cast %scan3A_62 : i32 to index
        %swap3A_77 = arith.constant 0 : index
        %swap3A_78 = tpu.vector_load %arg9[%swap3A, %swap3A_77] {strides = array<i32>} : memref<100x64xf32, #tpu.memory_space<vmem>>, vector<1x16xf32>,
        %swap3A_79 = vector.shape_cast %swap3A_78 : vector<1x16xf32> to vector<16xf32>
        %swap3A_80 = vector.shape_cast %add3A_76 : vector<16xf32> to vector<1x16xf32>
        tpu.vector_store %arg9[%swap3A, %swap3A_77], %swap3A_80 {strides = array<i32>} : memref<100x64xf32, #tpu.memory_space<vmem>>, vector<1x16xf32>,
        %get3A_81 = arith.index_cast %scan3A_62 : i32 to index
        %get3A_82 = arith.constant 16 : index
        %get3A_83 = tpu.vector_load %arg9[%get3A_81, %get3A_82] {strides = array<i32>} : memref<100x64xf32, #tpu.memory_space<vmem>>, vector<1x16xf32>,
        %get3A_84 = vector.shape_cast %get3A_83 : vector<1x16xf32> to vector<16xf32>
        %mul3A_85 = arith.constant 8.000000e+00 : f32
        %mul3A_86 = vector.broadcast %mul3A_85 : f32 to vector<16xf32>
        %mul3A_87 = arith.mulf %get3A_84, %mul3A_86 : vector<16xf32>
        %get3A_88 = arith.index_cast %add3A_65 : i32 to index
        %get3A_89 = arith.constant 16 : index
        %get3A_90 = tpu.vector_load %arg7[%get3A_88, %get3A_89] {strides = array<i32>} : memref<200x64xf32, #tpu.memory_space<vmem>>, vector<1x16xf32>,
        %get3A_91 = vector.shape_cast %get3A_90 : vector<1x16xf32> to vector<16xf32>
        %add3A_92 = arith.addf %mul3A_87, %get3A_91 : vector<16xf32>
        %swap3A_93 = arith.index_cast %scan3A_62 : i32 to index
        %swap3A_94 = arith.constant 16 : index
        %swap3A_95 = tpu.vector_load %arg9[%swap3A_93, %swap3A_94] {strides = array<i32>} : memref<100x64xf32, #tpu.memory_space<vmem>>, vector<1x16xf32>,
        %swap3A_96 = vector.shape_cast %swap3A_95 : vector<1x16xf32> to vector<16xf32>
        %swap3A_97 = vector.shape_cast %add3A_92 : vector<16xf32> to vector<1x16xf32>
        tpu.vector_store %arg9[%swap3A_93, %swap3A_94], %swap3A_97 {strides = array<i32>} : memref<100x64xf32, #tpu.memory_space<vmem>>, vector<1x16xf32>,
        %get3A_98 = arith.index_cast %scan3A_62 : i32 to index
        %get3A_99 = arith.constant 32 : index
        %get3A_100 = tpu.vector_load %arg9[%get3A_98, %get3A_99] {strides = array<i32>} : memref<100x64xf32, #tpu.memory_space<vmem>>, vector<1x16xf32>,
        %get3A_101 = vector.shape_cast %get3A_100 : vector<1x16xf32> to vector<16xf32>
        %mul3A_102 = arith.constant 8.000000e+00 : f32
        %mul3A_103 = vector.broadcast %mul3A_102 : f32 to vector<16xf32>
        %mul3A_104 = arith.mulf %get3A_101, %mul3A_103 : vector<16xf32>
        %get3A_105 = arith.index_cast %add3A_65 : i32 to index
        %get3A_106 = arith.constant 32 : index
        %get3A_107 = tpu.vector_load %arg7[%get3A_105, %get3A_106] {strides = array<i32>} : memref<200x64xf32, #tpu.memory_space<vmem>>, vector<1x16xf32>,
        %get3A_108 = vector.shape_cast %get3A_107 : vector<1x16xf32> to vector<16xf32>
        %add3A_109 = arith.addf %mul3A_104, %get3A_108 : vector<16xf32>
        %swap3A_110 = arith.index_cast %scan3A_62 : i32 to index
        %swap3A_111 = arith.constant 32 : index
        %swap3A_112 = tpu.vector_load %arg9[%swap3A_110, %swap3A_111] {strides = array<i32>} : memref<100x64xf32, #tpu.memory_space<vmem>>, vector<1x16xf32>,
        %swap3A_113 = vector.shape_cast %swap3A_112 : vector<1x16xf32> to vector<16xf32>
        %swap3A_114 = vector.shape_cast %add3A_109 : vector<16xf32> to vector<1x16xf32>
        tpu.vector_store %arg9[%swap3A_110, %swap3A_111], %swap3A_114 {strides = array<i32>} : memref<100x64xf32, #tpu.memory_space<vmem>>, vector<1x16xf32>,
        %get3A_115 = arith.index_cast %scan3A_62 : i32 to index
        %get3A_116 = arith.constant 48 : index
        %get3A_117 = tpu.vector_load %arg9[%get3A_115, %get3A_116] {strides = array<i32>} : memref<100x64xf32, #tpu.memory_space<vmem>>, vector<1x16xf32>,
        %get3A_118 = vector.shape_cast %get3A_117 : vector<1x16xf32> to vector<16xf32>
        %mul3A_119 = arith.constant 8.000000e+00 : f32
        %mul3A_120 = vector.broadcast %mul3A_119 : f32 to vector<16xf32>
        %mul3A_121 = arith.mulf %get3A_118, %mul3A_120 : vector<16xf32>
        %get3A_122 = arith.index_cast %add3A_65 : i32 to index
        %get3A_123 = arith.constant 48 : index
        %get3A_124 = tpu.vector_load %arg7[%get3A_122, %get3A_123] {strides = array<i32>} : memref<200x64xf32, #tpu.memory_space<vmem>>, vector<1x16xf32>,
        %get3A_125 = vector.shape_cast %get3A_124 : vector<1x16xf32> to vector<16xf32>
        %add3A_126 = arith.addf %mul3A_121, %get3A_125 : vector<16xf32>
        %swap3A_127 = arith.index_cast %scan3A_62 : i32 to index
        %swap3A_128 = arith.constant 48 : index
        %swap3A_129 = tpu.vector_load %arg9[%swap3A_127, %swap3A_128] {strides = array<i32>} : memref<100x64xf32, #tpu.memory_space<vmem>>, vector<1x16xf32>,
        %swap3A_130 = vector.shape_cast %swap3A_129 : vector<1x16xf32> to vector<16xf32>
        %swap3A_131 = vector.shape_cast %add3A_126 : vector<16xf32> to vector<1x16xf32>
        tpu.vector_store %arg9[%swap3A_127, %swap3A_128], %swap3A_131 {strides = array<i32>} : memref<100x64xf32, #tpu.memory_space<vmem>>, vector<1x16xf32>,
        %scan3A_132 = arith.constant 0 : i32
        scf.yield %scan3A_132 : i32
      }
      %scan3A_55 = arith.constant 100 : i32
      %add3A_56 = arith.addi %mul3A_2, %scan3A_25 : i32
      "tpu.region"() ({
        %run_scoped3A = tpu.sem_alloc : memref<!tpu.dma_semaphore, #tpu.memory_space<semaphore_mem>>
        %dma_start3A_62 = arith.constant 100 : i32
        %dma_start3A_63 = arith.constant 0 : i32
        %dma_start3A_64 = tpu.memref_slice %arg5[%add3A_56, %dma_start3A_62, %dma_start3A_63] : memref<1024x200x64xf32, #tpu.memory_space<hbm>> -> memref<1x100x64xf32, #tpu.memory_space<hbm>>
        %dma_start3A_65 = tpu.memref_squeeze %dma_start3A_64 : memref<1x100x64xf32, #tpu.memory_space<hbm>> -> memref<100x64xf32, #tpu.memory_space<hbm>>
        %dma_start3A_66 = arith.constant 100 : i32
        %dma_start3A_67 = arith.constant 0 : i32
        %dma_start3A_68 = tpu.memref_slice %arg5[%add3A_56, %dma_start3A_66, %dma_start3A_67] : memref<1024x200x64xf32, #tpu.memory_space<hbm>> -> memref<1x100x64xf32, #tpu.memory_space<hbm>>
        %dma_start3A_69 = tpu.memref_squeeze %dma_start3A_68 : memref<1x100x64xf32, #tpu.memory_space<hbm>> -> memref<100x64xf32, #tpu.memory_space<hbm>>
        tpu.enqueue_dma source(%arg9 : memref<100x64xf32, #tpu.memory_space<vmem>>) target(%dma_start3A_69 : memref<100x64xf32, #tpu.memory_space<hbm>>) target_semaphore(%run_scoped3A : memref<!tpu.dma_semaphore, #tpu.memory_space<semaphore_mem>>)
        %dma_wait3A_70 = arith.constant 100 : i32
        %dma_wait3A_71 = arith.constant 0 : i32
        %dma_wait3A_72 = tpu.memref_slice %arg5[%add3A_56, %dma_wait3A_70, %dma_wait3A_71] : memref<1024x200x64xf32, #tpu.memory_space<hbm>> -> memref<1x100x64xf32, #tpu.memory_space<hbm>>
        %dma_wait3A_73 = tpu.memref_squeeze %dma_wait3A_72 : memref<1x100x64xf32, #tpu.memory_space<hbm>> -> memref<100x64xf32, #tpu.memory_space<hbm>>
        %dma_wait3A_74 = arith.constant 100 : i32
        %dma_wait3A_75 = arith.constant 0 : i32
        %dma_wait3A_76 = tpu.memref_slice %arg5[%add3A_56, %dma_wait3A_74, %dma_wait3A_75] : memref<1024x200x64xf32, #tpu.memory_space<hbm>> -> memref<1x100x64xf32, #tpu.memory_space<hbm>>
        %dma_wait3A_77 = tpu.memref_squeeze %dma_wait3A_76 : memref<1x100x64xf32, #tpu.memory_space<hbm>> -> memref<100x64xf32, #tpu.memory_space<hbm>>
        tpu.wait_dma2 semaphore(%run_scoped3A : memref<!tpu.dma_semaphore, #tpu.memory_space<semaphore_mem>>) src(%arg9 : memref<100x64xf32, #tpu.memory_space<vmem>>) dst(%dma_wait3A_77 : memref<100x64xf32, #tpu.memory_space<hbm>>)
        tpu.yield
      }) : () -> ()
      %lt3A_57 = arith.constant 31 : i32
      %lt3A_58 = arith.cmpi slt, %scan3A_25, %lt3A_57 : i32
      %convert_element_type3A_59 = arith.extui %lt3A_58 : i1 to i32
      %cond3A_60 = arith.constant 0 : i32
      %cond3A_61 = arith.cmpi ne, %convert_element_type3A_59, %cond3A_60 : i32
      scf.if %cond3A_61 {
        %mul3A_62 = arith.constant 2 : i32
        %mul3A_63 = arith.muli %mul3A_62, %scan3A_25 : i32
        %add3A_64 = arith.constant 2 : i32
        %add3A_65 = arith.addi %mul3A_63, %add3A_64 : i32
        %add3A_66 = arith.constant 1 : i32
        %add3A_67 = arith.addi %add3A_65, %add3A_66 : i32
        %dma_start3A_68 = arith.constant 0 : i32
        %dma_start3A_69 = tpu.memref_slice %arg6[%add3A_67, %dma_start3A_68] : memref<64x100xi32, #tpu.memory_space<vmem>> -> memref<1x100xi32, #tpu.memory_space<vmem>>
        %dma_start3A_70 = tpu.memref_squeeze %dma_start3A_69 : memref<1x100xi32, #tpu.memory_space<vmem>> -> memref<100xi32, #tpu.memory_space<vmem>>
        %dma_start3A_71 = arith.constant 0 : i32
        %dma_start3A_72 = arith.constant 0 : i32
        %dma_start3A_73 = tpu.memref_slice %arg4[%dma_start3A_71, %dma_start3A_72] : memref<1000000x64xf32, #tpu.memory_space<hbm>> -> memref<1000000x64xf32, #tpu.memory_space<hbm>>
        tpu.enqueue_indirect_dma source(%dma_start3A_73 : memref<1000000x64xf32, #tpu.memory_space<hbm>>) target(%arg9 : memref<100x64xf32, #tpu.memory_space<vmem>>) offsets(%dma_start3A_70 : memref<100xi32, #tpu.memory_space<vmem>>) semaphore(%arg11 : memref<!tpu.dma_semaphore, #tpu.memory_space<semaphore_mem>>)
      } else {
      }
    }
    %scan3A_24 = arith.constant 32 : i32
    return
  }
}

</mosaic_0001>

<sc_bundles>
// kernel: kernel.3.cloned.1.call-start
scs
__scs_entry_jumppad:
0x0: {  	(pc) =	sbr.rel $0x88, $3  }
0x1: {  	(tag) =	ssettag $0x0;
	lr =	simm.s32 $0x1  }
0x2: {  	[smem:$0x3F9E] =	sst lr;
	_ =	strace $0xD0000000  }
0x3: {  	_ = 	snop  }
0x4: {  	_ = 	snop  }
0x5: {  	_ = 	snop  }
0x6: {  	_ = 	snop  }
0x7: {  	_ = 	snop  }
__scs_overlays_trampoline_lowered:
0x8: {  	[smem:$0x3FAD] =	sst s0  }
0x9: {  	[smem:$0x3FAE] =	sst s1  }
0xa: {  	[smem:$0x3FAF] =	sst s2  }
0xb: {  	[smem:$0x3FB0] =	sst s3  }
0xc: {  	[smem:$0x3FB1] =	sst s4  }
0xd: {  	[smem:$0x3FB2] =	sst s5  }
0xe: {  	[smem:$0x3FB3] =	sst s6  }
0xf: {  	[smem:$0x3FB4] =	sst s7  }
0x10: {  	[smem:$0x3FB5] =	sst s8  }
0x11: {  	[smem:$0x3FB6] =	sst s9;
	s0 =	simm.s32 @!p0 $0x0  }
0x12: {  	s1 =	sld [smem:$0x3F9C];
	s0 =	simm.s32 @p0 $0x1  }
0x13: {  	[smem:$0x3FB7] =	sst s0;
	s0 =	simm.s32 @!p1 $0x0  }
0x14: {  	s2 =	sld [smem:$0x3F9B];
	s0 =	simm.s32 @p1 $0x1  }
0x15: {  	[smem:$0x3FB8] =	sst s0;
	s0 =	simm.s32 @!p2 $0x0  }
0x16: {  	s3 =	sld [smem:$0x3FDB];
	s0 =	simm.s32 @p2 $0x1  }
0x17: {  	s4 =	simm.s32 $0x1BF5;
	[smem:$0x3FBA] =	sst s0  }
0x18: {  	s0 =	sld [smem:$0x3F9D];
	_ =	swait.ge [sflag:s4], $0x0  }
0x19: {  	s7 =	sld [smem:$0x3F9E]  }
0x1a: {  	s8 =	sadd.s32 $0xFFFFE003, lr  }
0x1b: {  	s9 =	sadd.s32 $0xFFFFFEF7, lr;
	s5 =	simm.s32 $0xFFFFFFFF;
	p2 =	slt.u32 s8, $0xFFFFF086  }
0x1c: {  	p1 =	slt.u32 s9, $0xF7A;
	s5 =	simm.s32 @!p2 $0x0  }
0x1d: {  	s5 =	simm.s32 @p1 $0x1;
	p0 =	seq.s32 s7, s2  }
0x1e: {  	s7 =	smul.u32 @!p0 $0xF7A, s2;
	p2 =	seq.s32 @!p0 s5, $0x0  }
0x1f: {  	s9 =	smul.u32 $0xF7A, s1;
	s8 =	simm.s32 @!p0 $0x1BF5;
	p2 =	por !p2, p0  }
0x20: {  	[sflag:s8] =	ssyncset.s32 @!p0 $0xFFFFF086;
	s6 =	sadd.s32 @!p0 s3, s7;
	s7 =	simm.s32 @!p0 $0x108  }
0x21: {  	s3 =	sadd.s32 s3, s9;
	s6 =	sadd.s32 @!p0 $0x88, s6;
	s7 =	simm.s32 @p2 $0x1082  }
0x22: {  	[simem:s7], [sflag:s8] =	dma.local @!p0 [hbm:s6], $0xF7A  }
0x23: {  	s9 =	sor.u32 $0xD0000000, s2;
	s6 =	simm.s32 $0x108;
	_ =	swait.ge @!p0 [sflag:s8], $0x0  }
0x24: {  	s3 =	sadd.s32 $0x88, s3;
	s6 =	simm.s32 @!p1 $0x1082;
	[sflag:s4] =	ssyncset.s32 $0xFFFFF086  }
0x25: {  	[simem:s6], [sflag:s4] =	dma.local [hbm:s3], $0xF7A  }
0x26: {  	[smem:$0x3F9E] =	sst s1;
	(tag) =	ssettag s2;
	_ =	strace s9  }
0x27: {  	s1 =	sld [smem:$0x3FAE]  }
0x28: {  	s2 =	sld [smem:$0x3FAF]  }
0x29: {  	s4 =	sld [smem:$0x3FB1]  }
0x2a: {  	p0 =	seq.s32 s5, $0x0;
	s5 =	sld [smem:$0x3FB2]  }
0x2b: {  	s6 =	sld [smem:$0x3FB3]  }
0x2c: {  	s7 =	sld [smem:$0x3FB4]  }
0x2d: {  	s3 =	simm.s32 $0x108;
	s8 =	sld [smem:$0x3FB5]  }
0x2e: {  	s3 =	simm.s32 @!p0 $0x1082;
	s9 =	sld [smem:$0x3FB6]  }
0x2f: {  	lr =	sadd.s32 s0, s3;
	s0 =	sld [smem:$0x3FAD]  }
0x30: {  	s3 =	sld [smem:$0x3FB0]  }
0x31: {  	[smem:$0x3FB9] =	sst s10  }
0x32: {  	s10 =	sld [smem:$0x3FB7];
	_ =	sdelay $0x3  }
0x33: {  	p0 =	seq.s32 s10, $0x1;
	s10 =	sld [smem:$0x3FB9];
	_ =	sdelay $0x3  }
0x34: {  	[smem:$0x3FB9] =	sst s10  }
0x35: {  	s10 =	sld [smem:$0x3FB8];
	_ =	sdelay $0x3  }
0x36: {  	p1 =	seq.s32 s10, $0x1;
	s10 =	sld [smem:$0x3FB9];
	_ =	sdelay $0x3  }
0x37: {  	[smem:$0x3FB9] =	sst s10  }
0x38: {  	s10 =	sld [smem:$0x3FBA]  }
0x39: {  	_ = 	snop;
	(pc) =	sbr.ind lr, $3  }
0x3a: {  	_ = 	snop  }
0x3b: {  	_ = 	snop  }
0x3c: {  	p2 =	seq.s32 s10, $0x1;
	s10 =	sld [smem:$0x3FB9]  }
0x3d: {  	_ =	shalt  }
0x3e: {  	_ =	shalt  }
0x3f: {  	_ =	shalt  }
0x40: {  	_ =	shalt  }
0x41: {  	_ =	shalt  }
0x42: {  	_ =	shalt  }
0x43: {  	_ =	shalt  }
0x44: {  	_ =	shalt  }
0x45: {  	_ =	shalt  }
0x46: {  	_ =	shalt  }
0x47: {  	_ =	shalt  }
0x48: {  	_ =	shalt  }
0x49: {  	_ =	shalt  }
0x4a: {  	_ =	shalt  }
0x4b: {  	_ =	shalt  }
0x4c: {  	_ =	shalt  }
0x4d: {  	_ =	shalt  }
0x4e: {  	_ =	shalt  }
0x4f: {  	_ =	shalt  }
0x50: {  	_ =	shalt  }
0x51: {  	_ =	shalt  }
0x52: {  	_ =	shalt  }
0x53: {  	_ =	shalt  }
0x54: {  	_ =	shalt  }
0x55: {  	_ =	shalt  }
0x56: {  	_ =	shalt  }
0x57: {  	_ =	shalt  }
0x58: {  	_ =	shalt  }
0x59: {  	_ =	shalt  }
0x5a: {  	_ =	shalt  }
0x5b: {  	_ =	shalt  }
0x5c: {  	_ =	shalt  }
0x5d: {  	_ =	shalt  }
0x5e: {  	_ =	shalt  }
0x5f: {  	_ =	shalt  }
0x60: {  	_ =	shalt  }
0x61: {  	_ =	shalt  }
0x62: {  	_ =	shalt  }
0x63: {  	_ =	shalt  }
0x64: {  	_ =	shalt  }
0x65: {  	_ =	shalt  }
0x66: {  	_ =	shalt  }
0x67: {  	_ =	shalt  }
0x68: {  	_ =	shalt  }
0x69: {  	_ =	shalt  }
0x6a: {  	_ =	shalt  }
0x6b: {  	_ =	shalt  }
0x6c: {  	_ =	shalt  }
0x6d: {  	_ =	shalt  }
0x6e: {  	_ =	shalt  }
0x6f: {  	_ =	shalt  }
0x70: {  	_ =	shalt  }
0x71: {  	_ =	shalt  }
0x72: {  	_ =	shalt  }
0x73: {  	_ =	shalt  }
0x74: {  	_ =	shalt  }
0x75: {  	_ =	shalt  }
0x76: {  	_ =	shalt  }
0x77: {  	_ =	shalt  }
0x78: {  	_ =	shalt  }
0x79: {  	_ =	shalt  }
0x7a: {  	_ =	shalt  }
0x7b: {  	_ =	shalt  }
0x7c: {  	_ =	shalt  }
0x7d: {  	_ =	shalt  }
0x7e: {  	_ =	shalt  }
0x7f: {  	_ =	shalt  }
0x80: {  	_ =	shalt  }
0x81: {  	_ =	shalt  }
0x82: {  	_ =	shalt  }
0x83: {  	_ =	shalt  }
0x84: {  	_ =	shalt  }
0x85: {  	_ =	shalt  }
0x86: {  	_ =	shalt  }
0x87: {  	_ =	shalt  }
.Lfunc_end0:
.L_simem_size_0:
called_computation.1_lowered:
.L_overlay_start_0:
0x88: {  	s2 =	sld [smem:$0x3FD9]  }
0x89: {  	s3 =	sld [smem:$0x3FFE];
	_ =	sdelay $0x1  }
0x8a: {  	s1 =	srdreg.scid  }
0x8b: {  	s0 =	sand.u32 $0x1, s1  }
0x8c: {  	s17 =	sshll.u32 s0, $0xA;
	s2 =	sadd.s32 s3, s2  }
0x8d: {  	s2 =	sadd.s32 s2, s17  }
0x8e: {  	[smem:$0x3FC5] =	sst s2  }
0x8f: {  	_ = 	snop  }
0x90: {  	s2 =	sld [smem:$0x3FD0];
	(tm) =	ssettm $0x1  }
0x91: {  	s18 =	sld [smem:$0x3FFB];
	_ =	sdelay $0x3  }
0x92: {  	_ =	strace s18  }
0x93: {  	s3 =	sld [smem:$0x3FFC];
	_ =	sdelay $0x3  }
0x94: {  	_ =	strace s3  }
0x95: {  	s3 =	sld [smem:$0x3FFD];
	_ =	sdelay $0x3  }
0x96: {  	_ =	strace s3  }
0x97: {  	_ =	strace $0x8FFFFFFF  }
0x98: {  	s19 =	sld [smem:$0x3FDB];
	_ =	sdelay $0x1  }
0x99: {  	s4 =	simm.s32 $_scs_section_size  }
0x9a: {  	s5 =	simm.s32 $_size__tile_overlayer_lowered;
	s6 =	simm.s32 $_tile_overlayer_lowered  }
0x9b: {  	s22 =	simm.s32 $0x1BFF;
	s21 =	sshll.u32 s6, $0x1;
	s3 =	sadd.s32 s4, s19  }
0x9c: {  	s7 =	simm.s32 $0x0;
	s20 =	sshll.u32 s5, $0x1;
	s5 =	sadd.s32 s21, s3  }
0x9d: {  	[timem:s7], [sflag:s22] =	dma.local [hbm:s5], s20  }
0x9e: {  	_ =	swait.ge [sflag:s22], s20  }
0x9f: {  	s4 =	ssub.s32 $0x0, s20;
	[sflag:s22] =	ssyncset.done $0x0  }
0xa0: {  	[sflag:s22] =	ssyncadd.s32 s4;
	_ =	sdelay $0x1  }
0xa1: {  	s23 =	simm.s32 $0x1B8B  }
0xa2: {  	_ =	swait.ge [sflag:s23], $0x1  }
0xa3: {  	[sflag:s23] =	ssyncset.done $0x0  }
0xa4: {  	s25 =	simm.s32 $0x1B8E;
	s24 =	sld [smem:$0x3FFE];
	[sflag:s23] =	ssyncadd.s32 $0xFFFFFFFF  }
0xa5: {  	s26 =	simm.s32 $execute0_lowered;
	[smem:$0x3FD2] =	sst s25  }
0xa6: {  	s5 =	sshll.u32 s26, $0x1;
	_ =	strace $0x80000046;
	[dreg:$0x1] =	wrdreg $0xFFFFFFFF  }
0xa7: {  	s28 =	simm.s32 $_size_execute0_lowered;
	s3 =	sadd.s32 s3, s5;
	[dreg:$0x0] =	wrdreg $0x0  }
0xa8: {  	s5 =	sshll.u32 s28, $0x1;
	[dreg:$0x2] =	wrdreg s3  }
0xa9: {  	[dreg:$0x3] =	wrdreg s5  }
0xaa: {  	[dreg:$0x4] =	wrdreg $0xC0  }
0xab: {  	_ =	task [dreg:s7], $0x5FFFF  }
0xac: {  	[dreg:$0x1] =	wrdreg $0xFFFFFFFF  }
0xad: {  	[dreg:$0x0] =	wrdreg $0x60  }
0xae: {  	[dreg:$0x2] =	wrdreg s24  }
0xaf: {  	[dreg:$0x3] =	wrdreg s2  }
0xb0: {  	[dreg:$0x4] =	wrdreg $0x9  }
0xb1: {  	_ =	task.clear_ibuf [dreg:s7], $0x5FFFF;
	_ =	strace $0x90000046  }
0xb2: {  	s29 =	simm.s32 $0x9;
	_ =	strace $0x80000048  }
0xb3: {  	_ =	swait.ge [sflag:s29], $0x1  }
0xb4: {  	[sflag:s29] =	ssyncadd.s32 $0xFFFFFFFF  }
0xb5: {  	_ =	strace $0x90000048  }
0xb6: {  	_ =	sfence  }
0xb7: {  	s30 =	sld [smem:$0x0];
	_ =	sdelay $0x2  }
0xb8: {  	s31 =	sshll.u32 s1, $0xD;
	s1 =	sshrl.u32 s1, $0x2  }
0xb9: {  	s3 =	sand.u32 $0x4000, s31;
	s1 =	sadd.s32 s1, s30  }
0xba: {  	s0 =	sor.u32 s3, s0;
	s1 =	sshll.u32 s1, $0x11  }
0xbb: {  	s0 =	sor.u32 s1, s0  }
0xbc: {  	s0 =	sadd.s32 $0x8F2B, s0  }
0xbd: {  	[sflag:s0] =	ssyncadd.remote.s32 $0x1  }
0xbe: {  	_ =	sfence.sel $0xFFFF  }
0xbf: {  	[dreg:$0x0] =	wrdreg $0xFFFFFFFF;
	(pc) =	sbr.abs _section_cstart, $3  }
0xc0: {  	[dreg:$0x1] =	wrdreg $0xFFFFFFFF  }
0xc1: {  	_ =	task.clear_ibuf [dreg:s7], $0x2FFFF;
	_ =	strace $0x9FFFFFFF  }
0xc2: {  	(tm) =	ssettm $0x7FFFFFFF  }
0xc3: {  	_ =	shalt  }
tec
execute0_lowered:
.L_overlay_start_1:
0x0: {  	(tag) =	ssettag $0x1  }
0x1: {  	s1 =	srdreg.scid;
	s5 =	rddreg [dreg:$0x0]  }
0x2: {  	s0 =	stileid.u32;
	s2 =	rddreg [dreg:$0x1]  }
0x3: {  	s3 =	simm.s32 $0x0;
	s10 =	simm.s32 $0x1A00;
	s11 =	simm.s32 $0x64  }
0x4: {  	s12 =	simm.s32 $0x4C00;
	s13 =	simm.s32 $0x68;
	s14 =	simm.s32 $0x6500  }
0x5: {  	s15 =	simm.s32 $0x1;
	s16 =	simm.s32 $0x2;
	s17 =	simm.s32 $0x0  }
0x6: {  	s4 =	sand.u32 $0x1, s1;
	s31 =	sshll.u32 s0, $0x1;
	s1 =	rddreg [dreg:$0x2]  }
.Ltmp0:
0x7: {  	[smem:$0x7FF] =	sst s3;
	s6 =	sor.u32 s4, s31;
	(pc) =	sbr.rel .LBB2_1-.Ltmp0, $4  }
0x8: {  	s8 =	ssub.s32 $0x2, s4;
	_ =	strace $0x80000047;
	s7 =	smul.u32 $0x340, s6  }
0x9: {  	s4 =	sadd.s32 $0x7600, s5;
	s9 =	sshrl.u32 s8, $0x1;
	s6 =	sshll.u32 s6, $0x5  }
0xa: {  	s8 =	ssub.s32 s8, s9;
	s9 =	simm.s32 $0x3;
	s7 =	sadd.s32 s7, s5  }
0xb: {  	s5 =	sadd.s32 $0xF43200, s5;
	s8 =	smax.u32 s8, $0x1;
	s7 =	sadd.s32 $0xE00, s7  }
.LBB2_8:
0xc: {  	s17 =	sadd.s32 $0x1, s17  }
0xd: {  	p0 =	sne.s32 s17, s8  }
.Ltmp1:
0xe: {  	_ = 	snop;
	(pc) =	sbr.rel @!p0 .LBB2_9-.Ltmp1, $1  }
0xf: {  	_ =	sdelay $0x3  }
.LBB2_1:
0x10: {  	[tilespmem:s3], [sflag:$0x3] =	stream.linear.gather [hbm4b:s7+s3], $0x1A00, $0x38;
	[tilespmem:$0x7E00] =	vst v63  }
0x11: {  	_ =	swait.ge [sflag:s9], $0x1A00  }
0x12: {  	[sflag:s9] =	ssyncset.done $0x0  }
0x13: {  	[sflag:s9] =	ssyncadd.s32 $0xFFFFE600  }
0x14: {  	[tilespmem:s10], [sflag:$0x3] =	stream.linear.gather [hbm4b:s4+s3], $0x3200, $0x38;
	[tilespmem:$0x7E00] =	vst v63  }
0x15: {  	_ =	swait.ge [sflag:s9], $0x3200  }
0x16: {  	[sflag:s9] =	ssyncset.done $0x0  }
0x17: {  	[sflag:s9] =	ssyncadd.s32 $0xFFFFCE00  }
0x18: {  	[tilespmem:s12], [sflag:$0x1] =	stream.indirect.gather [hbm4b:s5+s11], $0x40, s3, s11, $0xb8;
	[tilespmem:$0x7E00] =	vst v63  }
0x19: {  	s18 =	simm.s32 $0x0  }
0x1a: {  	[tilespmem:s14], [sflag:$0x2] =	stream.indirect.gather [hbm4b:s5+s11], $0x40, s13, s11, $0xb8;
	[tilespmem:$0x7E00] =	vst v63  }
.LBB2_2:
0x1b: {  	_ =	swait.ge [sflag:s15], $0x1900  }
0x1c: {  	[sflag:s15] =	ssyncset.done $0x0  }
0x1d: {  	s19 =	simm.s32 $0x0;
	[sflag:s15] =	ssyncadd.s32 $0xFFFFE700  }
0x1e: {  	v1 =	vld [tilespmem:s19+$0x1A00]  }
0x1f: {  	v0 =	vld [tilespmem:s19+$0x1A10]  }
0x20: {  	v3 =	vld [tilespmem:s19+$0x4C00]  }
0x21: {  	v4 =	vld [tilespmem:s19+$0x4C10]  }
0x22: {  	s20 =	simm.s32 $0x100;
	v2 =	vld [tilespmem:s19+$0x4C20]  }
.LBB2_3:
0x23: {  	p0 =	sne.s32 s20, $0x6300;
	v5 =	vld [tilespmem:s19+$0x4C30]  }
0x24: {  	v6 =	vld [tilespmem:s19+$0x1A20]  }
0x25: {  	v3 =	vmul.f32 $8.000000000e+00, v3;
	v7 =	vld [tilespmem:s19+$0x1A30]  }
0x26: {  	v4 =	vmul.f32 $8.000000000e+00, v4  }
0x27: {  	s21 =	sshra.s32 s20, $0x2;
	v3 =	vadd.f32 v1, v3;
	v2 =	vmul.f32 $8.000000000e+00, v2  }
.Ltmp2:
0x28: {  	v1 =	vld [tilespmem:s21+$0x1A00];
	v4 =	vadd.f32 v0, v4;
	v5 =	vmul.f32 $8.000000000e+00, v5;
	(pc) =	sbr.rel @p0 .LBB2_3-.Ltmp2, $4  }
0x29: {  	v0 =	vld [tilespmem:s21+$0x1A10];
	[tilespmem:s19+$0x4C00] =	vst v3;
	v2 =	vadd.f32 v6, v2  }
0x2a: {  	v3 =	vld [tilespmem:s21+$0x4C00];
	[tilespmem:s19+$0x4C10] =	vst v4;
	v5 =	vadd.f32 v7, v5  }
0x2b: {  	v4 =	vld [tilespmem:s21+$0x4C10];
	[tilespmem:s19+$0x4C20] =	vst v2  }
0x2c: {  	s20 =	sadd.s32 $0x100, s20;
	v2 =	vld [tilespmem:s21+$0x4C20];
	[tilespmem:s19+$0x4C30] =	vst v5;
	s19 =	smov.u32 s21  }
0x2d: {  	v5 =	vld [tilespmem:s19+$0x4C30]  }
0x2e: {  	v6 =	vld [tilespmem:s19+$0x1A20]  }
0x2f: {  	v7 =	vld [tilespmem:s19+$0x1A30];
	v3 =	vmul.f32 $8.000000000e+00, v3  }
0x30: {  	v4 =	vmul.f32 $8.000000000e+00, v4  }
0x31: {  	v1 =	vadd.f32 v1, v3;
	v2 =	vmul.f32 $8.000000000e+00, v2  }
0x32: {  	s20 =	sadd.s32 s6, s18;
	v0 =	vadd.f32 v0, v4;
	v3 =	vmul.f32 $8.000000000e+00, v5  }
0x33: {  	s20 =	smul.u32 $0x3200, s20;
	[tilespmem:s19+$0x4C00] =	vst v1;
	v1 =	vadd.f32 v6, v2  }
0x34: {  	[tilespmem:s19+$0x4C10] =	vst v0;
	v0 =	vadd.f32 v7, v3  }
0x35: {  	p0 =	seq.s32 s18, $0x1F;
	s20 =	sshrl.u32 s20, $0x3;
	[tilespmem:s19+$0x4C20] =	vst v1  }
0x36: {  	[tilespmem:s19+$0x4C30] =	vst v0;
	s19 =	sadd.s32 s2, s20;
	s20 =	smul.u32 @!p0 $0x340, s18  }
0x37: {  	[hbm4b:s19+s3] =	stream.linear.scatter [tilespmem:s12], [sflag:$0x3], $0x1900, $0x38;
	[tilespmem:$0x7E00] =	vst v63  }
0x38: {  	_ =	swait.ge [sflag:s9], $0x1900  }
0x39: {  	s21 =	simm.s32 @!p0 $0x64;
	s20 =	sshra.s32 @!p0 s20, $0x2;
	[sflag:s9] =	ssyncset.done $0x0  }
0x3a: {  	s22 =	simm.s32 @!p0 $0x4C00;
	s20 =	sadd.s32 @!p0 $0xD0, s20;
	[sflag:s9] =	ssyncadd.s32 $0xFFFFE700  }
0x3b: {  	[tilespmem:s22], [sflag:$0x1] =	stream.indirect.gather @!p0 [hbm4b:s5+s21], $0x40, s20, s21, $0xb8;
	[tilespmem:$0x7E00] =	vst v63  }
0x3c: {  	_ =	swait.ge [sflag:s16], $0x1900  }
0x3d: {  	[sflag:s16] =	ssyncset.done $0x0  }
0x3e: {  	s20 =	simm.s32 $0x0;
	[sflag:s16] =	ssyncadd.s32 $0xFFFFE700  }
0x3f: {  	v1 =	vld [tilespmem:s20+$0x3300]  }
0x40: {  	v0 =	vld [tilespmem:s20+$0x3310]  }
0x41: {  	v3 =	vld [tilespmem:s20+$0x6500]  }
0x42: {  	v4 =	vld [tilespmem:s20+$0x6510]  }
0x43: {  	s21 =	simm.s32 $0x100;
	v2 =	vld [tilespmem:s20+$0x6520]  }
.LBB2_5:
0x44: {  	p1 =	sne.s32 s21, $0x6300;
	v5 =	vld [tilespmem:s20+$0x6530]  }
0x45: {  	v6 =	vld [tilespmem:s20+$0x3320]  }
0x46: {  	v3 =	vmul.f32 $8.000000000e+00, v3;
	v7 =	vld [tilespmem:s20+$0x3330]  }
0x47: {  	v4 =	vmul.f32 $8.000000000e+00, v4  }
0x48: {  	s22 =	sshra.s32 s21, $0x2;
	v3 =	vadd.f32 v1, v3;
	v2 =	vmul.f32 $8.000000000e+00, v2  }
.Ltmp3:
0x49: {  	v1 =	vld [tilespmem:s22+$0x3300];
	v4 =	vadd.f32 v0, v4;
	v5 =	vmul.f32 $8.000000000e+00, v5;
	(pc) =	sbr.rel @p1 .LBB2_5-.Ltmp3, $4  }
0x4a: {  	v0 =	vld [tilespmem:s22+$0x3310];
	[tilespmem:s20+$0x6500] =	vst v3;
	v2 =	vadd.f32 v6, v2  }
0x4b: {  	v3 =	vld [tilespmem:s22+$0x6500];
	[tilespmem:s20+$0x6510] =	vst v4;
	v5 =	vadd.f32 v7, v5  }
0x4c: {  	v4 =	vld [tilespmem:s22+$0x6510];
	[tilespmem:s20+$0x6520] =	vst v2  }
0x4d: {  	s21 =	sadd.s32 $0x100, s21;
	v2 =	vld [tilespmem:s22+$0x6520];
	[tilespmem:s20+$0x6530] =	vst v5;
	s20 =	smov.u32 s22  }
0x4e: {  	v5 =	vld [tilespmem:s20+$0x6530]  }
0x4f: {  	v6 =	vld [tilespmem:s20+$0x3320]  }
0x50: {  	v7 =	vld [tilespmem:s20+$0x3330];
	v3 =	vmul.f32 $8.000000000e+00, v3  }
0x51: {  	v4 =	vmul.f32 $8.000000000e+00, v4  }
0x52: {  	v1 =	vadd.f32 v1, v3;
	v2 =	vmul.f32 $8.000000000e+00, v2  }
0x53: {  	v0 =	vadd.f32 v0, v4;
	v61 =	vmul.f32 $8.000000000e+00, v5  }
0x54: {  	[tilespmem:s20+$0x6500] =	vst v1;
	v62 =	vadd.f32 v6, v2  }
0x55: {  	[tilespmem:s20+$0x6510] =	vst v0;
	v63 =	vadd.f32 v7, v61  }
0x56: {  	[tilespmem:s20+$0x6520] =	vst v62  }
.Ltmp4:
0x57: {  	s19 =	sadd.s32 $0x320, s19;
	[tilespmem:s20+$0x6530] =	vst v63;
	(pc) =	sbr.rel @p0 .LBB2_8-.Ltmp4, $4  }
0x58: {  	[hbm4b:s19+s3] =	stream.linear.scatter [tilespmem:s14], [sflag:$0x3], $0x1900, $0x38;
	[tilespmem:$0x7E00] =	vst v63  }
0x59: {  	_ =	swait.ge [sflag:s9], $0x1900  }
0x5a: {  	[sflag:s9] =	ssyncset.done $0x0  }
0x5b: {  	[sflag:s9] =	ssyncadd.s32 $0xFFFFE700  }
0x5c: {  	s19 =	smul.u32 $0x340, s18  }
.Ltmp5:
0x5d: {  	_ = 	snop;
	(pc) =	sbr.rel .LBB2_2-.Ltmp5, $4  }
0x5e: {  	_ = 	snop  }
0x5f: {  	s19 =	sshra.s32 s19, $0x2  }
0x60: {  	s18 =	sadd.s32 $0x1, s18;
	s19 =	sadd.s32 $0x138, s19  }
0x61: {  	[tilespmem:s14], [sflag:$0x2] =	stream.indirect.gather [hbm4b:s5+s11], $0x40, s19, s11, $0xb8;
	[tilespmem:$0x7E00] =	vst v63  }
.LBB2_9:
0x62: {  	_ =	sfence.sel $0x180000  }
0x63: {  	[bflag:$0x0] =	sbarrier.arrive $0xFFFF  }
0x64: {  	p0 =	sne.s32 s0, $0x0;
	_ =	strace $0x90000047  }
0x65: {  	s0 =	sadd.s32 @!p0 $0x100000, s1;
	[bflag:$0x2] =	sbarrier.arrive $0xFFFF  }
0x66: {  	[sflag:s0] =	ssyncadd.tile.s32 @!p0 $0x1;
	_ =	shalt  }
.Lfunc_end2:
_tile_overlayer_lowered:
.L_overlay_start_2:
0x67: {  	(tag) =	ssettag $0x2  }
0x68: {  	s0 =	rddreg [dreg:$0x0];
	s2 =	stileid.u32  }
0x69: {  	s1 =	rddreg [dreg:$0x1];
	p0 =	sne.s32 s2, $0x0  }
0x6a: {  	s3 =	rddreg [dreg:$0x2];
	[bflag:$0x3] =	sbarrier.arrive $0xFFFF;
	s2 =	simm.s32 @!p0 $0x1C03  }
0x6b: {  	[timem:s3], [sflag:s2] =	dma.local @!p0 [hbm:s0], s1  }
0x6c: {  	s0 =	simm.s32 @!p0 $0x3  }
0x6d: {  	_ =	swait.ge @!p0 [sflag:s0], s1  }
0x6e: {  	s1 =	ssub.s32 @!p0 $0x0, s1;
	[sflag:s0] =	ssyncset.done @!p0 $0x0  }
0x6f: {  	[sflag:s0] =	ssyncadd.s32 @!p0 s1  }
0x70: {  	[bflag:$0x3] =	sbarrier.arrive $0xFFFF  }
0x71: {  	_ =	shalt  }

// kernel: sparse-core-data-format-call.cloned.1.call-start
scs
called_computation_lowered:
.L_overlay_start_0:
0x0: {  	s2 =	sld [smem:$0x3FD9]  }
0x1: {  	s3 =	sld [smem:$0x3FFE];
	_ =	sdelay $0x1  }
0x2: {  	s1 =	srdreg.scid  }
0x3: {  	s0 =	sand.u32 $0x1, s1  }
0x4: {  	s18 =	sshll.u32 s0, $0xA;
	s2 =	sadd.s32 s3, s2  }
0x5: {  	s2 =	sadd.s32 s2, s18  }
0x6: {  	[smem:$0x3FC5] =	sst s2  }
0x7: {  	_ = 	snop  }
0x8: {  	s2 =	sld [smem:$0x3FD0];
	(tm) =	ssettm $0x1  }
0x9: {  	s19 =	sld [smem:$0x3FFB];
	_ =	sdelay $0x3  }
0xa: {  	_ =	strace s19  }
0xb: {  	s3 =	sld [smem:$0x3FFC];
	_ =	sdelay $0x3  }
0xc: {  	_ =	strace s3  }
0xd: {  	s3 =	sld [smem:$0x3FFD];
	_ =	sdelay $0x3  }
0xe: {  	_ =	strace s3  }
0xf: {  	_ =	strace $0x8FFFFFFF  }
0x10: {  	s20 =	sld [smem:$0x3FDB];
	_ =	sdelay $0x1  }
0x11: {  	s4 =	simm.s32 $_scs_section_size  }
0x12: {  	s5 =	simm.s32 $_size__tile_overlayer_lowered;
	s6 =	simm.s32 $_tile_overlayer_lowered  }
0x13: {  	s23 =	simm.s32 $0x1BFF;
	s22 =	sshll.u32 s6, $0x1;
	s3 =	sadd.s32 s4, s20  }
0x14: {  	s7 =	simm.s32 $0x0;
	s21 =	sshll.u32 s5, $0x1;
	s5 =	sadd.s32 s22, s3  }
0x15: {  	[timem:s7], [sflag:s23] =	dma.local [hbm:s5], s21  }
0x16: {  	_ =	swait.ge [sflag:s23], s21  }
0x17: {  	s4 =	ssub.s32 $0x0, s21;
	[sflag:s23] =	ssyncset.done $0x0  }
0x18: {  	[sflag:s23] =	ssyncadd.s32 s4;
	_ =	sdelay $0x1  }
0x19: {  	s24 =	simm.s32 $0x1B8B  }
0x1a: {  	_ =	swait.ge [sflag:s24], $0x1  }
0x1b: {  	[sflag:s24] =	ssyncset.done $0x0  }
0x1c: {  	s26 =	simm.s32 $0x1B8E;
	s25 =	sld [smem:$0x3FFE];
	[sflag:s24] =	ssyncadd.s32 $0xFFFFFFFF  }
0x1d: {  	s27 =	simm.s32 $execute0_lowered;
	[smem:$0x3FD2] =	sst s26  }
0x1e: {  	s5 =	sshll.u32 s27, $0x1;
	_ =	strace $0x80000049;
	[dreg:$0x1] =	wrdreg $0xFFFFFFFF  }
0x1f: {  	s28 =	simm.s32 $_size_execute0_lowered;
	s3 =	sadd.s32 s3, s5;
	[dreg:$0x0] =	wrdreg $0x0  }
0x20: {  	s5 =	sshll.u32 s28, $0x1;
	[dreg:$0x2] =	wrdreg s3  }
0x21: {  	[dreg:$0x3] =	wrdreg s5  }
0x22: {  	[dreg:$0x4] =	wrdreg $0xC0  }
0x23: {  	_ =	task [dreg:s7], $0x5FFFF  }
0x24: {  	[dreg:$0x1] =	wrdreg $0xFFFFFFFF  }
0x25: {  	[dreg:$0x0] =	wrdreg $0x60  }
0x26: {  	[dreg:$0x2] =	wrdreg s25  }
0x27: {  	[dreg:$0x3] =	wrdreg s2  }
0x28: {  	[dreg:$0x4] =	wrdreg $0x9  }
0x29: {  	_ =	task.clear_ibuf [dreg:s7], $0x5FFFF;
	_ =	strace $0x90000049  }
0x2a: {  	s29 =	simm.s32 $0x9;
	_ =	strace $0x8000004B  }
0x2b: {  	_ =	swait.ge [sflag:s29], $0x1  }
0x2c: {  	[sflag:s29] =	ssyncadd.s32 $0xFFFFFFFF  }
0x2d: {  	_ =	strace $0x9000004B  }
0x2e: {  	_ =	sfence  }
0x2f: {  	s30 =	sld [smem:$0x0];
	_ =	sdelay $0x2  }
0x30: {  	s31 =	sshll.u32 s1, $0xD;
	s1 =	sshrl.u32 s1, $0x2  }
0x31: {  	s3 =	sand.u32 $0x4000, s31;
	s1 =	sadd.s32 s1, s30  }
0x32: {  	s0 =	sor.u32 s3, s0;
	s1 =	sshll.u32 s1, $0x11  }
0x33: {  	s0 =	sor.u32 s1, s0  }
0x34: {  	s0 =	sadd.s32 $0x8F2B, s0  }
0x35: {  	[sflag:s0] =	ssyncadd.remote.s32 $0x1  }
0x36: {  	_ =	sfence.sel $0xFFFF  }
0x37: {  	[dreg:$0x0] =	wrdreg $0xFFFFFFFF;
	(pc) =	sbr.abs _section_cstart, $3  }
0x38: {  	[dreg:$0x1] =	wrdreg $0xFFFFFFFF  }
0x39: {  	_ =	task.clear_ibuf [dreg:s7], $0x2FFFF;
	_ =	strace $0x9FFFFFFF  }
0x3a: {  	(tm) =	ssettm $0x7FFFFFFF  }
0x3b: {  	_ =	shalt  }
tec
execute0_lowered:
.L_overlay_start_1:
0x0: {  	(tag) =	ssettag $0x1  }
0x1: {  	s0 =	stileid.u32;
	s6 =	rddreg [dreg:$0x0]  }
0x2: {  	s2 =	rddreg [dreg:$0x1];
	s5 =	srdreg.scid  }
0x3: {  	s31 =	simm.s32 $0x2;
	s13 =	simm.s32 $0x0;
	s1 =	sshll.u32 s0, $0x7  }
0x4: {  	s14 =	simm.s32 $0x0;
	s12 =	simm.s32 $0x0;
	s3 =	sand.u32 $0x380, s1  }
0x5: {  	s5 =	sshll.u32 s5, $0x4;
	s6 =	sadd.s32 $0xE00, s6;
	s4 =	ssub.s32 $0x400, s3  }
0x6: {  	s1 =	rddreg [dreg:$0x2];
	_ =	strace $0x8000004A;
	s7 =	sand.u32 $0x380, s4  }
0x7: {  	s5 =	sand.u32 $0x10, s5;
	p0 =	sne.s32 s7, $0x0;
	s7 =	simm.s32 $0x1  }
.Ltmp0:
0x8: {  	s8 =	sshrl.u32 s4, $0xA;
	s7 =	simm.s32 @!p0 $0x0;
	(pc) =	sbr.rel .LBB1_1-.Ltmp0, $4  }
0x9: {  	s9 =	sor.u32 s0, s5;
	s4 =	simm.s32 $0x1;
	s30 =	sadd.s32 s7, s8  }
0xa: {  	s11 =	smov.u32 s3;
	[sflag:s4] =	ssyncpa.u1 $0x0;
	s5 =	smul.u32 $0x32, s30  }
0xb: {  	[sflag:s31] =	ssyncpa.u1 $0x0;
	p0 =	por $0x0, $0x0;
	s7 =	sshrl.u32 s9, $0x3  }
0xc: {  	s9 =	simm.s32 $0x2000;
	s10 =	smov.u32 s7;
	s8 =	sor.u32 $0x1, s5  }
.LBB1_4:
0xd: {  	s17 =	sand.u32 $0x1F80, s14;
	s13 =	sshll.u32 s13, $0xD  }
0xe: {  	[tilespmem:s16+$0x810 ss:$0x81] =	vst.msk $0xffff, v2;
	s18 =	sshrl.u32 s14, $0x3;
	s31 =	sand.u32 $0x7, s14;
	s17 =	sadd.s32 s2, s17  }
0xf: {  	[tilespmem:s16+$0x1020 ss:$0x81] =	vst.msk $0xffff, v0;
	s18 =	sand.u32 $0xF, s18;
	s14 =	sshll.u32 s31, $0x12;
	s13 =	sadd.s32 s13, s17  }
0x10: {  	[tilespmem:s16+$0x0 ss:$0x81] =	vst.msk $0xffff, v1;
	s14 =	sor.u32 $0x400, s14;
	s13 =	sadd.s32 s18, s13  }
0x11: {  	[hbm4b:s13+s14] =	stream.strided.scatter [tilespmem:s15], [sflag:$0x2], $0x2000, s9, s14, $0x20;
	[tilespmem:$0x8080] =	vst v63  }
.LBB1_5:
0x12: {  	s15 =	sadd.s32 $0x4, s10  }
0x13: {  	s13 =	sadd.s32 $0x400, s11;
	s17 =	smov.u32 s11;
	p2 =	sgt.s32 s15, $0xC7  }
0x14: {  	s17 =	smov.u32 @p2 s13  }
0x15: {  	s15 =	smov.u32 @p2 s7;
	p2 =	sgt.s32 s17, $0x3FF  }
0x16: {  	s17 =	smov.u32 @p2 s3;
	p2 =	sne.s32 s12, s8  }
.Ltmp1:
0x17: {  	p1 =	slt.u32 s12, $0x2;
	(pc) =	sbr.rel @!p2 .LBB1_6-.Ltmp1, $4  }
0x18: {  	s16 =	simm.s32 @!p1 $0x2  }
0x19: {  	s14 =	smov.u32 s11;
	p0 =	por !p0, !p0;
	_ =	swait.ge @!p1 [sflag:s16], $0x2000  }
0x1a: {  	s13 =	smov.u32 s10;
	[sflag:s16] =	ssyncset.done @!p1 $0x0;
	s10 =	smov.u32 s15  }
0x1b: {  	s12 =	sadd.s32 $0x1, s12;
	[sflag:s16] =	ssyncadd.s32 @!p1 $0xFFFFE000;
	s11 =	smov.u32 s17  }
.LBB1_1:
0x1c: {  	p1 =	sge.u32 s12, s5  }
0x1d: {  	s15 =	sand.u32 @!p1 $0x1FFFFFF, s10  }
0x1e: {  	s16 =	smulhi.u32 @!p1 $0x147AE15, s15;
	_ =	sdelay $0x1  }
0x1f: {  	s16 =	smul.u32 @!p1 $0xC8, s16  }
0x20: {  	s17 =	sxor.u32 @!p1 $0xFFFFFFFF, s12;
	s18 =	smul.u32 @!p1 $0xC80, s11  }
0x21: {  	s31 =	sadd.s32 $0xFFFFFFFF, s12;
	s17 =	sshll.u32 @!p1 s17, $0xD;
	s15 =	ssub.s32 @!p1 s15, s16  }
0x22: {  	s16 =	sand.u32 @!p1 $0x2000, s17;
	s17 =	sadd.s32 @!p1 s6, s18;
	s15 =	sshll.u32 @!p1 s15, $0x4  }
0x23: {  	s18 =	simm.s32 @!p1 $0x6400;
	s15 =	sadd.s32 @!p1 s15, s17;
	s17 =	simm.s32 @!p1 $0x40  }
0x24: {  	[tilespmem:s16], [sflag:$0x1] =	stream.strided.gather @!p1 [hbm4b:s15+s17], $0x2000, s18, s17, $0x38;
	[tilespmem:$0x8080] =	vst v63  }
0x25: {  	p1 =	sge.u32 s31, s5  }
.Ltmp2:
0x26: {  	_ = 	snop;
	(pc) =	sbr.rel @p1 .LBB1_5-.Ltmp2, $1  }
0x27: {  	_ =	sdelay $0x3  }
0x28: {  	s15 =	simm.s32 $0x1  }
0x29: {  	_ =	swait.ge [sflag:s4], $0x2000;
	s15 =	simm.s32 @!p0 $0x0  }
0x2a: {  	[sflag:s4] =	ssyncset.done $0x0;
	s16 =	sshll.u32 s15, $0xD  }
0x2b: {  	[sflag:s4] =	ssyncadd.s32 $0xFFFFE000;
	s19 =	sor.u32 $0x20, s16  }
0x2c: {  	s15 =	smul.u32 $0x8100, s15;
	v3 =	vld [tilespmem:s19+$0x10]  }
0x2d: {  	s30 =	sand.u32 $0x1, s12;
	v2 =	vld [tilespmem:s19+$0xFFFFFFF0]  }
0x2e: {  	s16 =	smul.u32 $0x8100, s30;
	s15 =	sshrl.u32 s15, $0x2;
	v0 =	vld [tilespmem:s19+$0x0]  }
0x2f: {  	v1 =	vld [tilespmem:s19+$0xFFFFFFE0];
	s17 =	sor.u32 $0x4000, s15  }
0x30: {  	s31 =	sshrl.u32 s16, $0x2;
	s16 =	sadd.s32 $0x0, s17  }
0x31: {  	s18 =	simm.s32 $0x4;
	s19 =	sadd.s32 $0x40, s19;
	s15 =	sor.u32 $0x4000, s31;
	[tilespmem:s16+$0x1830 ss:$0x81] =	vst.msk $0xffff, v3  }
.LBB1_3:
0x32: {  	v3 =	vld [tilespmem:s19+$0x10];
	p1 =	sne.s32 s18, $0x1FC;
	[tilespmem:s16+$0x810 ss:$0x81] =	vst.msk $0xffff, v2;
	s20 =	smov.u32 s18;
	s18 =	sadd.s32 $0x4, s18  }
.Ltmp3:
0x33: {  	v2 =	vld [tilespmem:s19+$0xFFFFFFF0];
	[tilespmem:s16+$0x1020 ss:$0x81] =	vst.msk $0xffff, v0;
	(pc) =	sbr.rel @p1 .LBB1_3-.Ltmp3, $4  }
0x34: {  	v0 =	vld [tilespmem:s19+$0x0];
	[tilespmem:s16+$0x0 ss:$0x81] =	vst.msk $0xffff, v1  }
0x35: {  	s16 =	sshra.s32 s20, $0x2;
	v1 =	vld [tilespmem:s19+$0xFFFFFFE0]  }
0x36: {  	s16 =	sadd.s32 s16, s17  }
0x37: {  	s19 =	sadd.s32 $0x40, s19;
	[tilespmem:s16+$0x1830 ss:$0x81] =	vst.msk $0xffff, v3  }
.Ltmp4:
0x38: {  	_ = 	snop;
	(pc) =	sbr.rel .LBB1_4-.Ltmp4, $1  }
0x39: {  	_ =	sdelay $0x3  }
.LBB1_6:
0x3a: {  	_ =	sfence.sel $0x180000  }
0x3b: {  	s2 =	simm.s32 $0x1;
	[bflag:$0x0] =	sbarrier.arrive $0xFFFF  }
0x3c: {  	s31 =	simm.s32 $0x2;
	[sflag:s2] =	ssyncpa.u1 $0x1  }
0x3d: {  	[sflag:s31] =	ssyncpa.u1 $0x1  }
0x3e: {  	p0 =	sne.s32 s0, $0x0;
	_ =	strace $0x9000004A  }
0x3f: {  	s0 =	sadd.s32 @!p0 $0x100000, s1;
	[bflag:$0x2] =	sbarrier.arrive $0xFFFF  }
0x40: {  	[sflag:s0] =	ssyncadd.tile.s32 @!p0 $0x1;
	_ =	shalt  }
.Lfunc_end1:
_tile_overlayer_lowered:
.L_overlay_start_2:
0x41: {  	(tag) =	ssettag $0x2  }
0x42: {  	s0 =	rddreg [dreg:$0x0];
	s2 =	stileid.u32  }
0x43: {  	s1 =	rddreg [dreg:$0x1];
	p0 =	sne.s32 s2, $0x0  }
0x44: {  	s3 =	rddreg [dreg:$0x2];
	[bflag:$0x3] =	sbarrier.arrive $0xFFFF;
	s2 =	simm.s32 @!p0 $0x1C01  }
0x45: {  	[timem:s3], [sflag:s2] =	dma.local @!p0 [hbm:s0], s1  }
0x46: {  	s0 =	simm.s32 @!p0 $0x1  }
0x47: {  	_ =	swait.ge @!p0 [sflag:s0], s1  }
0x48: {  	s1 =	ssub.s32 @!p0 $0x0, s1;
	[sflag:s0] =	ssyncset.done @!p0 $0x0  }
0x49: {  	[sflag:s0] =	ssyncadd.s32 @!p0 s1  }
0x4a: {  	[bflag:$0x3] =	sbarrier.arrive $0xFFFF  }
0x4b: {  	_ =	shalt  }

</sc_bundles>
